<compile_context>
chip_gen: v7x
topology: tpu7x:2x2x1
jax: 0.10.2.dev20260603
libtpu: 0.0.44.dev20260713+nightly
codegen_flags: <defaults>
</compile_context>

<pallas_src>
import functools

import jax
import jax.numpy as jnp
from jax import lax
from jax.experimental import pallas as pl
from jax.experimental.pallas import tpu as pltpu
from jax.experimental.pallas import tpu_sc as plsc

L = 16


@functools.lru_cache(maxsize=None)
def _build_sc_gather(sc_rows, d, f, chunk_rows, row_base):
    info = plsc.get_sparse_core_info()
    nc, ns = info.num_cores, info.num_subcores
    nw = nc * ns
    assert sc_rows % (nw * chunk_rows) == 0
    rows_per_worker = sc_rows // nw
    n_chunks = rows_per_worker // chunk_rows
    n_groups = f // L

    mesh = plsc.VectorSubcoreMesh(core_axis_name="c", subcore_axis_name="s")

    assert n_chunks % 2 == 0
    n_pairs = n_chunks // 2

    @functools.partial(
        pl.kernel,
        out_type=jax.ShapeDtypeStruct((sc_rows, f), jnp.float32),
        mesh=mesh,
        compiler_params=pltpu.CompilerParams(
            needs_layout_passes=False,
            skip_device_barrier=True,
            disable_bounds_checks=True,
            disable_semaphore_checks=True,
        ),
        scratch_types=[
            pltpu.VMEM((f,), jnp.int32),
            pltpu.VMEM((chunk_rows, d), jnp.float32),
            pltpu.VMEM((chunk_rows, d), jnp.float32),
            pltpu.VMEM((chunk_rows, f), jnp.float32),
            pltpu.VMEM((chunk_rows, f), jnp.float32),
            pltpu.SemaphoreType.DMA,
            pltpu.SemaphoreType.DMA,
            pltpu.SemaphoreType.DMA,
            pltpu.SemaphoreType.DMA,
        ],
    )
    def sc_gather(x_hbm, idx_hbm, out_hbm, idx_v, in0, in1, ob0, ob1,
                  si0, si1, so0, so1):
        wid = lax.axis_index("s") * nc + lax.axis_index("c")
        base = wid * rows_per_worker
        pltpu.sync_copy(idx_hbm, idx_v)
        col_idx = [idx_v[pl.ds(g * L, L)] for g in range(n_groups)]

        def cp_in(c, buf, sem):
            return pltpu.make_async_copy(
                x_hbm.at[pl.ds(row_base + base + c * chunk_rows, chunk_rows)],
                buf, sem)

        def cp_out(c, buf, sem):
            return pltpu.make_async_copy(
                buf, out_hbm.at[pl.ds(base + c * chunk_rows, chunk_rows)], sem)

        def subsample(in_b, out_b):
            def row_body(i, carry):
                row = jnp.full((L,), i, jnp.int32)
                for g in range(n_groups):
                    vals = plsc.load_gather(in_b, [row, col_idx[g]])
                    out_b[i, pl.ds(g * L, L)] = vals
                return carry

            lax.fori_loop(0, chunk_rows, row_body, 0)

        cp_in(0, in0, si0).start()
        cp_in(1, in1, si1).start()

        def body(k, carry):
            c0 = 2 * k
            cp_in(c0, in0, si0).wait()

            @pl.when(k > 0)
            def _():
                cp_out(c0 - 2, ob0, so0).wait()

            subsample(in0, ob0)
            cp_out(c0, ob0, so0).start()

            @pl.when(k < n_pairs - 1)
            def _():
                cp_in(c0 + 2, in0, si0).start()

            cp_in(c0 + 1, in1, si1).wait()

            @pl.when(k > 0)
            def _():
                cp_out(c0 - 1, ob1, so1).wait()

            subsample(in1, ob1)
            cp_out(c0 + 1, ob1, so1).start()

            @pl.when(k < n_pairs - 1)
            def _():
                cp_in(c0 + 3, in1, si1).start()

            return carry

        lax.fori_loop(0, n_pairs, body, 0)
        cp_out(n_chunks - 2, ob0, so0).wait()
        cp_out(n_chunks - 1, ob1, so1).wait()

    return sc_gather


@functools.lru_cache(maxsize=None)
def _build_tc_gather(nrows_tc, d, f, br, nrows_out):
    def body(idx_ref, x_ref, o_ref, oh_ref):
        @pl.when(pl.program_id(0) == 0)
        def _():
            di = lax.broadcasted_iota(jnp.int32, (d, f), 0)
            oh_ref[...] = jnp.where(di == idx_ref[0, :][None, :], 1.0, 0.0)

        o_ref[...] = jnp.dot(x_ref[...], oh_ref[...],
                             preferred_element_type=jnp.float32)

    return pl.pallas_call(
        body,
        grid=(nrows_tc // br,),
        in_specs=[
            pl.BlockSpec((8, f), lambda i: (0, 0)),
            pl.BlockSpec((br, d), lambda i: (i, 0)),
        ],
        out_specs=pl.BlockSpec((br, f), lambda i: (i, 0)),
        out_shape=jax.ShapeDtypeStruct((nrows_out, f), jnp.float32),
        scratch_shapes=[pltpu.VMEM((d, f), jnp.float32)],
    )


_SC_ROWS = 3072


def kernel(X, feature_indices):
    b, s, d = X.shape
    f = feature_indices.shape[0]
    nrows = b * s
    x2d = X.reshape(nrows, d)
    tc_rows = nrows - _SC_ROWS
    idx8 = jnp.broadcast_to(feature_indices, (8, f))
    out_sc = _build_sc_gather(_SC_ROWS, d, f, 16, tc_rows)(x2d, feature_indices)
    out_full = _build_tc_gather(tc_rows, d, f, 1024, nrows)(idx8, x2d)
    out2d = lax.dynamic_update_slice(out_full, out_sc, (tc_rows, 0))
    return out2d.reshape(b, s, f)

# --- scband reference (transcript-rebuilt; emitter-appended) ---
"""Pipeline reference for scband-filter-features-28286654611965 (READ-ONLY COPY).

The authoritative reference and input builder live on the scoring server;
editing this copy changes nothing except your own understanding.
"""

import jax, jax.numpy as jnp
import numpy as np


def setup_inputs(seed: int = 0) -> dict:
    key = jax.random.key(seed)
    X = jax.random.normal(key, (2, 4096, 2048), dtype=jnp.float32)
    # feature_indices buffer from init_kwargs: 128 unique indices, stride 16 over d=2048
    feature_indices = jnp.arange(0, 2048, 16, dtype=jnp.int32)
    return {"X": X, "feature_indices": feature_indices}


def reference(X, feature_indices):
    # FilterFeatures.forward in train() mode with transform_on_train=True:
    # transform(X) = X[..., feature_indices]  (gather along last dim)
    return jnp.take(X, feature_indices, axis=-1)

if __name__ == "__main__":
    import jax
    _d = setup_inputs()
    print(jax.jit(kernel)(*tuple(_d.values())))

</pallas_src>

<mosaic_0001>
#map = affine_map<(d0, d1) -> (0, 0)>
#map1 = affine_map<(d0, d1) -> (0)>
module attributes {stable_mosaic.version = 14 : i64} {
  func.func @sc_gather(%arg0: i32, %arg1: i32, %arg2: memref<8192x2048xf32, #tpu.memory_space<hbm>>, %arg3: memref<128xi32, #tpu.memory_space<hbm>>, %arg4: memref<3072x128xf32, #tpu.memory_space<hbm>>, %arg5: memref<128xi32, #tpu.memory_space<vmem>>, %arg6: memref<16x2048xf32, #tpu.memory_space<vmem>>, %arg7: memref<16x2048xf32, #tpu.memory_space<vmem>>, %arg8: memref<16x128xf32, #tpu.memory_space<vmem>>, %arg9: memref<16x128xf32, #tpu.memory_space<vmem>>, %arg10: memref<!tpu.dma_semaphore, #tpu.memory_space<semaphore_mem>>, %arg11: memref<!tpu.dma_semaphore, #tpu.memory_space<semaphore_mem>>, %arg12: memref<!tpu.dma_semaphore, #tpu.memory_space<semaphore_mem>>, %arg13: memref<!tpu.dma_semaphore, #tpu.memory_space<semaphore_mem>>) attributes {dimension_semantics = [#tpu.dimension_semantics<core_parallel>, #tpu.dimension_semantics<subcore_parallel>], iteration_bounds = array<i64: 2, 16>, scalar_prefetch = 0 : i64, scratch_operands = 9 : i64, tpu.core_type = #tpu.core_type<sc_vector_subcore>, window_params = [{transform_indices = #map}, {transform_indices = #map1}, {transform_indices = #map}]} {
    %mul3A = arith.constant 2 : i32
    %mul3A_0 = arith.muli %arg1, %mul3A : i32
    %add3A = arith.addi %mul3A_0, %arg0 : i32
    %mul3A_1 = arith.constant 96 : i32
    %mul3A_2 = arith.muli %add3A, %mul3A_1 : i32
    "tpu.region"() ({
      %run_scoped3A = tpu.sem_alloc : memref<!tpu.dma_semaphore, #tpu.memory_space<semaphore_mem>>
      tpu.enqueue_dma source(%arg3 : memref<128xi32, #tpu.memory_space<hbm>>) target(%arg5 : memref<128xi32, #tpu.memory_space<vmem>>) target_semaphore(%run_scoped3A : memref<!tpu.dma_semaphore, #tpu.memory_space<semaphore_mem>>)
      tpu.wait_dma2 semaphore(%run_scoped3A : memref<!tpu.dma_semaphore, #tpu.memory_space<semaphore_mem>>) src(%arg3 : memref<128xi32, #tpu.memory_space<hbm>>) dst(%arg5 : memref<128xi32, #tpu.memory_space<vmem>>)
      tpu.yield
    }) : () -> ()
    %get3A = arith.constant 0 : index
    %get3A_3 = tpu.vector_load %arg5[%get3A] {strides = array<i32>} : memref<128xi32, #tpu.memory_space<vmem>>, vector<16xi32>,
    %get3A_4 = arith.constant 16 : index
    %get3A_5 = tpu.vector_load %arg5[%get3A_4] {strides = array<i32>} : memref<128xi32, #tpu.memory_space<vmem>>, vector<16xi32>,
    %get3A_6 = arith.constant 32 : index
    %get3A_7 = tpu.vector_load %arg5[%get3A_6] {strides = array<i32>} : memref<128xi32, #tpu.memory_space<vmem>>, vector<16xi32>,
    %get3A_8 = arith.constant 48 : index
    %get3A_9 = tpu.vector_load %arg5[%get3A_8] {strides = array<i32>} : memref<128xi32, #tpu.memory_space<vmem>>, vector<16xi32>,
    %get3A_10 = arith.constant 64 : index
    %get3A_11 = tpu.vector_load %arg5[%get3A_10] {strides = array<i32>} : memref<128xi32, #tpu.memory_space<vmem>>, vector<16xi32>,
    %get3A_12 = arith.constant 80 : index
    %get3A_13 = tpu.vector_load %arg5[%get3A_12] {strides = array<i32>} : memref<128xi32, #tpu.memory_space<vmem>>, vector<16xi32>,
    %get3A_14 = arith.constant 96 : index
    %get3A_15 = tpu.vector_load %arg5[%get3A_14] {strides = array<i32>} : memref<128xi32, #tpu.memory_space<vmem>>, vector<16xi32>,
    %get3A_16 = arith.constant 112 : index
    %get3A_17 = tpu.vector_load %arg5[%get3A_16] {strides = array<i32>} : memref<128xi32, #tpu.memory_space<vmem>>, vector<16xi32>,
    %add3A_18 = arith.constant 5120 : i32
    %add3A_19 = arith.addi %add3A_18, %mul3A_2 : i32
    %add3A_20 = arith.constant 0 : i32
    %add3A_21 = arith.addi %add3A_19, %add3A_20 : i32
    %dma_start3A = arith.constant 0 : i32
    %dma_start3A_22 = tpu.memref_slice %arg2[%add3A_21, %dma_start3A] : memref<8192x2048xf32, #tpu.memory_space<hbm>> -> memref<16x2048xf32, #tpu.memory_space<hbm>>
    %dma_start3A_23 = arith.constant 0 : i32
    %dma_start3A_24 = tpu.memref_slice %arg2[%add3A_21, %dma_start3A_23] : memref<8192x2048xf32, #tpu.memory_space<hbm>> -> memref<16x2048xf32, #tpu.memory_space<hbm>>
    tpu.enqueue_dma source(%dma_start3A_24 : memref<16x2048xf32, #tpu.memory_space<hbm>>) target(%arg6 : memref<16x2048xf32, #tpu.memory_space<vmem>>) target_semaphore(%arg10 : memref<!tpu.dma_semaphore, #tpu.memory_space<semaphore_mem>>)
    %add3A_25 = arith.constant 5120 : i32
    %add3A_26 = arith.addi %add3A_25, %mul3A_2 : i32
    %add3A_27 = arith.constant 16 : i32
    %add3A_28 = arith.addi %add3A_26, %add3A_27 : i32
    %dma_start3A_29 = arith.constant 0 : i32
    %dma_start3A_30 = tpu.memref_slice %arg2[%add3A_28, %dma_start3A_29] : memref<8192x2048xf32, #tpu.memory_space<hbm>> -> memref<16x2048xf32, #tpu.memory_space<hbm>>
    %dma_start3A_31 = arith.constant 0 : i32
    %dma_start3A_32 = tpu.memref_slice %arg2[%add3A_28, %dma_start3A_31] : memref<8192x2048xf32, #tpu.memory_space<hbm>> -> memref<16x2048xf32, #tpu.memory_space<hbm>>
    tpu.enqueue_dma source(%dma_start3A_32 : memref<16x2048xf32, #tpu.memory_space<hbm>>) target(%arg7 : memref<16x2048xf32, #tpu.memory_space<vmem>>) target_semaphore(%arg11 : memref<!tpu.dma_semaphore, #tpu.memory_space<semaphore_mem>>)
    %scan3A = arith.constant 0 : i32
    %scan3A_33 = arith.constant 0 : i32
    %scan3A_34 = arith.constant 3 : i32
    %scan3A_35 = arith.addi %scan3A_33, %scan3A_34 : i32
    %scan3A_36 = arith.constant 1 : i32
    scf.for %scan3A_49 = %scan3A_33 to %scan3A_35 step %scan3A_36  : i32 {
      %mul3A_50 = arith.constant 2 : i32
      %mul3A_51 = arith.muli %mul3A_50, %scan3A_49 : i32
      %add3A_52 = arith.constant 5120 : i32
      %add3A_53 = arith.addi %add3A_52, %mul3A_2 : i32
      %mul3A_54 = arith.constant 16 : i32
      %mul3A_55 = arith.muli %mul3A_51, %mul3A_54 : i32
      %add3A_56 = arith.addi %add3A_53, %mul3A_55 : i32
      %dma_wait3A_57 = arith.constant 0 : i32
      %dma_wait3A_58 = tpu.memref_slice %arg2[%add3A_56, %dma_wait3A_57] : memref<8192x2048xf32, #tpu.memory_space<hbm>> -> memref<16x2048xf32, #tpu.memory_space<hbm>>
      %dma_wait3A_59 = arith.constant 0 : i32
      %dma_wait3A_60 = tpu.memref_slice %arg2[%add3A_56, %dma_wait3A_59] : memref<8192x2048xf32, #tpu.memory_space<hbm>> -> memref<16x2048xf32, #tpu.memory_space<hbm>>
      tpu.wait_dma2 semaphore(%arg10 : memref<!tpu.dma_semaphore, #tpu.memory_space<semaphore_mem>>) src(%dma_wait3A_60 : memref<16x2048xf32, #tpu.memory_space<hbm>>) dst(%arg6 : memref<16x2048xf32, #tpu.memory_space<vmem>>)
      %gt3A = arith.constant 0 : i32
      %gt3A_61 = arith.cmpi sgt, %scan3A_49, %gt3A : i32
      %convert_element_type3A = arith.extui %gt3A_61 : i1 to i32
      %cond3A = arith.constant 0 : i32
      %cond3A_62 = arith.cmpi ne, %convert_element_type3A, %cond3A : i32
      scf.if %cond3A_62 {
        %sub3A = arith.constant 2 : i32
        %sub3A_116 = arith.subi %mul3A_51, %sub3A : i32
        %mul3A_117 = arith.constant 16 : i32
        %mul3A_118 = arith.muli %sub3A_116, %mul3A_117 : i32
        %add3A_119 = arith.addi %mul3A_2, %mul3A_118 : i32
        %dma_wait3A_120 = arith.constant 0 : i32
        %dma_wait3A_121 = tpu.memref_slice %arg4[%add3A_119, %dma_wait3A_120] : memref<3072x128xf32, #tpu.memory_space<hbm>> -> memref<16x128xf32, #tpu.memory_space<hbm>>
        %dma_wait3A_122 = arith.constant 0 : i32
        %dma_wait3A_123 = tpu.memref_slice %arg4[%add3A_119, %dma_wait3A_122] : memref<3072x128xf32, #tpu.memory_space<hbm>> -> memref<16x128xf32, #tpu.memory_space<hbm>>
        tpu.wait_dma2 semaphore(%arg12 : memref<!tpu.dma_semaphore, #tpu.memory_space<semaphore_mem>>) src(%arg8 : memref<16x128xf32, #tpu.memory_space<vmem>>) dst(%dma_wait3A_123 : memref<16x128xf32, #tpu.memory_space<hbm>>)
      } else {
      }
      %scan3A_63 = arith.constant 0 : i32
      %scan3A_64 = arith.constant 0 : i32
      %scan3A_65 = arith.constant 16 : i32
      %scan3A_66 = arith.addi %scan3A_64, %scan3A_65 : i32
      %scan3A_67 = arith.constant 1 : i32
      scf.for %scan3A_116 = %scan3A_64 to %scan3A_66 step %scan3A_67  : i32 {
        %broadcast_in_dim3A = vector.broadcast %scan3A_116 : i32 to vector<16xi32>
        %gather3A = tpu.vector_load_idx %arg6[%broadcast_in_dim3A, %get3A_3] : memref<16x2048xf32, #tpu.memory_space<vmem>>[vector<16xi32>, vector<16xi32>], vector<16xf32>,
        %swap3A = arith.index_cast %scan3A_116 : i32 to index
        %swap3A_117 = arith.constant 0 : index
        %swap3A_118 = tpu.vector_load %arg8[%swap3A, %swap3A_117] {strides = array<i32>} : memref<16x128xf32, #tpu.memory_space<vmem>>, vector<16xf32>,
        tpu.vector_store %arg8[%swap3A, %swap3A_117], %gather3A {strides = array<i32>} : memref<16x128xf32, #tpu.memory_space<vmem>>, vector<16xf32>,
        %gather3A_119 = tpu.vector_load_idx %arg6[%broadcast_in_dim3A, %get3A_5] : memref<16x2048xf32, #tpu.memory_space<vmem>>[vector<16xi32>, vector<16xi32>], vector<16xf32>,
        %swap3A_120 = arith.index_cast %scan3A_116 : i32 to index
        %swap3A_121 = arith.constant 16 : index
        %swap3A_122 = tpu.vector_load %arg8[%swap3A_120, %swap3A_121] {strides = array<i32>} : memref<16x128xf32, #tpu.memory_space<vmem>>, vector<16xf32>,
        tpu.vector_store %arg8[%swap3A_120, %swap3A_121], %gather3A_119 {strides = array<i32>} : memref<16x128xf32, #tpu.memory_space<vmem>>, vector<16xf32>,
        %gather3A_123 = tpu.vector_load_idx %arg6[%broadcast_in_dim3A, %get3A_7] : memref<16x2048xf32, #tpu.memory_space<vmem>>[vector<16xi32>, vector<16xi32>], vector<16xf32>,
        %swap3A_124 = arith.index_cast %scan3A_116 : i32 to index
        %swap3A_125 = arith.constant 32 : index
        %swap3A_126 = tpu.vector_load %arg8[%swap3A_124, %swap3A_125] {strides = array<i32>} : memref<16x128xf32, #tpu.memory_space<vmem>>, vector<16xf32>,
        tpu.vector_store %arg8[%swap3A_124, %swap3A_125], %gather3A_123 {strides = array<i32>} : memref<16x128xf32, #tpu.memory_space<vmem>>, vector<16xf32>,
        %gather3A_127 = tpu.vector_load_idx %arg6[%broadcast_in_dim3A, %get3A_9] : memref<16x2048xf32, #tpu.memory_space<vmem>>[vector<16xi32>, vector<16xi32>], vector<16xf32>,
        %swap3A_128 = arith.index_cast %scan3A_116 : i32 to index
        %swap3A_129 = arith.constant 48 : index
        %swap3A_130 = tpu.vector_load %arg8[%swap3A_128, %swap3A_129] {strides = array<i32>} : memref<16x128xf32, #tpu.memory_space<vmem>>, vector<16xf32>,
        tpu.vector_store %arg8[%swap3A_128, %swap3A_129], %gather3A_127 {strides = array<i32>} : memref<16x128xf32, #tpu.memory_space<vmem>>, vector<16xf32>,
        %gather3A_131 = tpu.vector_load_idx %arg6[%broadcast_in_dim3A, %get3A_11] : memref<16x2048xf32, #tpu.memory_space<vmem>>[vector<16xi32>, vector<16xi32>], vector<16xf32>,
        %swap3A_132 = arith.index_cast %scan3A_116 : i32 to index
        %swap3A_133 = arith.constant 64 : index
        %swap3A_134 = tpu.vector_load %arg8[%swap3A_132, %swap3A_133] {strides = array<i32>} : memref<16x128xf32, #tpu.memory_space<vmem>>, vector<16xf32>,
        tpu.vector_store %arg8[%swap3A_132, %swap3A_133], %gather3A_131 {strides = array<i32>} : memref<16x128xf32, #tpu.memory_space<vmem>>, vector<16xf32>,
        %gather3A_135 = tpu.vector_load_idx %arg6[%broadcast_in_dim3A, %get3A_13] : memref<16x2048xf32, #tpu.memory_space<vmem>>[vector<16xi32>, vector<16xi32>], vector<16xf32>,
        %swap3A_136 = arith.index_cast %scan3A_116 : i32 to index
        %swap3A_137 = arith.constant 80 : index
        %swap3A_138 = tpu.vector_load %arg8[%swap3A_136, %swap3A_137] {strides = array<i32>} : memref<16x128xf32, #tpu.memory_space<vmem>>, vector<16xf32>,
        tpu.vector_store %arg8[%swap3A_136, %swap3A_137], %gather3A_135 {strides = array<i32>} : memref<16x128xf32, #tpu.memory_space<vmem>>, vector<16xf32>,
        %gather3A_139 = tpu.vector_load_idx %arg6[%broadcast_in_dim3A, %get3A_15] : memref<16x2048xf32, #tpu.memory_space<vmem>>[vector<16xi32>, vector<16xi32>], vector<16xf32>,
        %swap3A_140 = arith.index_cast %scan3A_116 : i32 to index
        %swap3A_141 = arith.constant 96 : index
        %swap3A_142 = tpu.vector_load %arg8[%swap3A_140, %swap3A_141] {strides = array<i32>} : memref<16x128xf32, #tpu.memory_space<vmem>>, vector<16xf32>,
        tpu.vector_store %arg8[%swap3A_140, %swap3A_141], %gather3A_139 {strides = array<i32>} : memref<16x128xf32, #tpu.memory_space<vmem>>, vector<16xf32>,
        %gather3A_143 = tpu.vector_load_idx %arg6[%broadcast_in_dim3A, %get3A_17] : memref<16x2048xf32, #tpu.memory_space<vmem>>[vector<16xi32>, vector<16xi32>], vector<16xf32>,
        %swap3A_144 = arith.index_cast %scan3A_116 : i32 to index
        %swap3A_145 = arith.constant 112 : index
        %swap3A_146 = tpu.vector_load %arg8[%swap3A_144, %swap3A_145] {strides = array<i32>} : memref<16x128xf32, #tpu.memory_space<vmem>>, vector<16xf32>,
        tpu.vector_store %arg8[%swap3A_144, %swap3A_145], %gather3A_143 {strides = array<i32>} : memref<16x128xf32, #tpu.memory_space<vmem>>, vector<16xf32>,
      }
      %scan3A_68 = arith.constant 16 : i32
      %mul3A_69 = arith.constant 16 : i32
      %mul3A_70 = arith.muli %mul3A_51, %mul3A_69 : i32
      %add3A_71 = arith.addi %mul3A_2, %mul3A_70 : i32
      %dma_start3A_72 = arith.constant 0 : i32
      %dma_start3A_73 = tpu.memref_slice %arg4[%add3A_71, %dma_start3A_72] : memref<3072x128xf32, #tpu.memory_space<hbm>> -> memref<16x128xf32, #tpu.memory_space<hbm>>
      %dma_start3A_74 = arith.constant 0 : i32
      %dma_start3A_75 = tpu.memref_slice %arg4[%add3A_71, %dma_start3A_74] : memref<3072x128xf32, #tpu.memory_space<hbm>> -> memref<16x128xf32, #tpu.memory_space<hbm>>
      tpu.enqueue_dma source(%arg8 : memref<16x128xf32, #tpu.memory_space<vmem>>) target(%dma_start3A_75 : memref<16x128xf32, #tpu.memory_space<hbm>>) target_semaphore(%arg12 : memref<!tpu.dma_semaphore, #tpu.memory_space<semaphore_mem>>)
      %lt3A = arith.constant 2 : i32
      %lt3A_76 = arith.cmpi slt, %scan3A_49, %lt3A : i32
      %convert_element_type3A_77 = arith.extui %lt3A_76 : i1 to i32
      %cond3A_78 = arith.constant 0 : i32
      %cond3A_79 = arith.cmpi ne, %convert_element_type3A_77, %cond3A_78 : i32
      scf.if %cond3A_79 {
        %add3A_116 = arith.constant 2 : i32
        %add3A_117 = arith.addi %mul3A_51, %add3A_116 : i32
        %add3A_118 = arith.constant 5120 : i32
        %add3A_119 = arith.addi %add3A_118, %mul3A_2 : i32
        %mul3A_120 = arith.constant 16 : i32
        %mul3A_121 = arith.muli %add3A_117, %mul3A_120 : i32
        %add3A_122 = arith.addi %add3A_119, %mul3A_121 : i32
        %dma_start3A_123 = arith.constant 0 : i32
        %dma_start3A_124 = tpu.memref_slice %arg2[%add3A_122, %dma_start3A_123] : memref<8192x2048xf32, #tpu.memory_space<hbm>> -> memref<16x2048xf32, #tpu.memory_space<hbm>>
        %dma_start3A_125 = arith.constant 0 : i32
        %dma_start3A_126 = tpu.memref_slice %arg2[%add3A_122, %dma_start3A_125] : memref<8192x2048xf32, #tpu.memory_space<hbm>> -> memref<16x2048xf32, #tpu.memory_space<hbm>>
        tpu.enqueue_dma source(%dma_start3A_126 : memref<16x2048xf32, #tpu.memory_space<hbm>>) target(%arg6 : memref<16x2048xf32, #tpu.memory_space<vmem>>) target_semaphore(%arg10 : memref<!tpu.dma_semaphore, #tpu.memory_space<semaphore_mem>>)
      } else {
      }
      %add3A_80 = arith.constant 1 : i32
      %add3A_81 = arith.addi %mul3A_51, %add3A_80 : i32
      %add3A_82 = arith.constant 5120 : i32
      %add3A_83 = arith.addi %add3A_82, %mul3A_2 : i32
      %mul3A_84 = arith.constant 16 : i32
      %mul3A_85 = arith.muli %add3A_81, %mul3A_84 : i32
      %add3A_86 = arith.addi %add3A_83, %mul3A_85 : i32
      %dma_wait3A_87 = arith.constant 0 : i32
      %dma_wait3A_88 = tpu.memref_slice %arg2[%add3A_86, %dma_wait3A_87] : memref<8192x2048xf32, #tpu.memory_space<hbm>> -> memref<16x2048xf32, #tpu.memory_space<hbm>>
      %dma_wait3A_89 = arith.constant 0 : i32
      %dma_wait3A_90 = tpu.memref_slice %arg2[%add3A_86, %dma_wait3A_89] : memref<8192x2048xf32, #tpu.memory_space<hbm>> -> memref<16x2048xf32, #tpu.memory_space<hbm>>
      tpu.wait_dma2 semaphore(%arg11 : memref<!tpu.dma_semaphore, #tpu.memory_space<semaphore_mem>>) src(%dma_wait3A_90 : memref<16x2048xf32, #tpu.memory_space<hbm>>) dst(%arg7 : memref<16x2048xf32, #tpu.memory_space<vmem>>)
      %gt3A_91 = arith.constant 0 : i32
      %gt3A_92 = arith.cmpi sgt, %scan3A_49, %gt3A_91 : i32
      %convert_element_type3A_93 = arith.extui %gt3A_92 : i1 to i32
      %cond3A_94 = arith.constant 0 : i32
      %cond3A_95 = arith.cmpi ne, %convert_element_type3A_93, %cond3A_94 : i32
      scf.if %cond3A_95 {
        %sub3A = arith.constant 1 : i32
        %sub3A_116 = arith.subi %mul3A_51, %sub3A : i32
        %mul3A_117 = arith.constant 16 : i32
        %mul3A_118 = arith.muli %sub3A_116, %mul3A_117 : i32
        %add3A_119 = arith.addi %mul3A_2, %mul3A_118 : i32
        %dma_wait3A_120 = arith.constant 0 : i32
        %dma_wait3A_121 = tpu.memref_slice %arg4[%add3A_119, %dma_wait3A_120] : memref<3072x128xf32, #tpu.memory_space<hbm>> -> memref<16x128xf32, #tpu.memory_space<hbm>>
        %dma_wait3A_122 = arith.constant 0 : i32
        %dma_wait3A_123 = tpu.memref_slice %arg4[%add3A_119, %dma_wait3A_122] : memref<3072x128xf32, #tpu.memory_space<hbm>> -> memref<16x128xf32, #tpu.memory_space<hbm>>
        tpu.wait_dma2 semaphore(%arg13 : memref<!tpu.dma_semaphore, #tpu.memory_space<semaphore_mem>>) src(%arg9 : memref<16x128xf32, #tpu.memory_space<vmem>>) dst(%dma_wait3A_123 : memref<16x128xf32, #tpu.memory_space<hbm>>)
      } else {
      }
      %scan3A_96 = arith.constant 0 : i32
      %scan3A_97 = arith.constant 0 : i32
      %scan3A_98 = arith.constant 16 : i32
      %scan3A_99 = arith.addi %scan3A_97, %scan3A_98 : i32
      %scan3A_100 = arith.constant 1 : i32
      scf.for %scan3A_116 = %scan3A_97 to %scan3A_99 step %scan3A_100  : i32 {
        %broadcast_in_dim3A = vector.broadcast %scan3A_116 : i32 to vector<16xi32>
        %gather3A = tpu.vector_load_idx %arg7[%broadcast_in_dim3A, %get3A_3] : memref<16x2048xf32, #tpu.memory_space<vmem>>[vector<16xi32>, vector<16xi32>], vector<16xf32>,
        %swap3A = arith.index_cast %scan3A_116 : i32 to index
        %swap3A_117 = arith.constant 0 : index
        %swap3A_118 = tpu.vector_load %arg9[%swap3A, %swap3A_117] {strides = array<i32>} : memref<16x128xf32, #tpu.memory_space<vmem>>, vector<16xf32>,
        tpu.vector_store %arg9[%swap3A, %swap3A_117], %gather3A {strides = array<i32>} : memref<16x128xf32, #tpu.memory_space<vmem>>, vector<16xf32>,
        %gather3A_119 = tpu.vector_load_idx %arg7[%broadcast_in_dim3A, %get3A_5] : memref<16x2048xf32, #tpu.memory_space<vmem>>[vector<16xi32>, vector<16xi32>], vector<16xf32>,
        %swap3A_120 = arith.index_cast %scan3A_116 : i32 to index
        %swap3A_121 = arith.constant 16 : index
        %swap3A_122 = tpu.vector_load %arg9[%swap3A_120, %swap3A_121] {strides = array<i32>} : memref<16x128xf32, #tpu.memory_space<vmem>>, vector<16xf32>,
        tpu.vector_store %arg9[%swap3A_120, %swap3A_121], %gather3A_119 {strides = array<i32>} : memref<16x128xf32, #tpu.memory_space<vmem>>, vector<16xf32>,
        %gather3A_123 = tpu.vector_load_idx %arg7[%broadcast_in_dim3A, %get3A_7] : memref<16x2048xf32, #tpu.memory_space<vmem>>[vector<16xi32>, vector<16xi32>], vector<16xf32>,
        %swap3A_124 = arith.index_cast %scan3A_116 : i32 to index
        %swap3A_125 = arith.constant 32 : index
        %swap3A_126 = tpu.vector_load %arg9[%swap3A_124, %swap3A_125] {strides = array<i32>} : memref<16x128xf32, #tpu.memory_space<vmem>>, vector<16xf32>,
        tpu.vector_store %arg9[%swap3A_124, %swap3A_125], %gather3A_123 {strides = array<i32>} : memref<16x128xf32, #tpu.memory_space<vmem>>, vector<16xf32>,
        %gather3A_127 = tpu.vector_load_idx %arg7[%broadcast_in_dim3A, %get3A_9] : memref<16x2048xf32, #tpu.memory_space<vmem>>[vector<16xi32>, vector<16xi32>], vector<16xf32>,
        %swap3A_128 = arith.index_cast %scan3A_116 : i32 to index
        %swap3A_129 = arith.constant 48 : index
        %swap3A_130 = tpu.vector_load %arg9[%swap3A_128, %swap3A_129] {strides = array<i32>} : memref<16x128xf32, #tpu.memory_space<vmem>>, vector<16xf32>,
        tpu.vector_store %arg9[%swap3A_128, %swap3A_129], %gather3A_127 {strides = array<i32>} : memref<16x128xf32, #tpu.memory_space<vmem>>, vector<16xf32>,
        %gather3A_131 = tpu.vector_load_idx %arg7[%broadcast_in_dim3A, %get3A_11] : memref<16x2048xf32, #tpu.memory_space<vmem>>[vector<16xi32>, vector<16xi32>], vector<16xf32>,
        %swap3A_132 = arith.index_cast %scan3A_116 : i32 to index
        %swap3A_133 = arith.constant 64 : index
        %swap3A_134 = tpu.vector_load %arg9[%swap3A_132, %swap3A_133] {strides = array<i32>} : memref<16x128xf32, #tpu.memory_space<vmem>>, vector<16xf32>,
        tpu.vector_store %arg9[%swap3A_132, %swap3A_133], %gather3A_131 {strides = array<i32>} : memref<16x128xf32, #tpu.memory_space<vmem>>, vector<16xf32>,
        %gather3A_135 = tpu.vector_load_idx %arg7[%broadcast_in_dim3A, %get3A_13] : memref<16x2048xf32, #tpu.memory_space<vmem>>[vector<16xi32>, vector<16xi32>], vector<16xf32>,
        %swap3A_136 = arith.index_cast %scan3A_116 : i32 to index
        %swap3A_137 = arith.constant 80 : index
        %swap3A_138 = tpu.vector_load %arg9[%swap3A_136, %swap3A_137] {strides = array<i32>} : memref<16x128xf32, #tpu.memory_space<vmem>>, vector<16xf32>,
        tpu.vector_store %arg9[%swap3A_136, %swap3A_137], %gather3A_135 {strides = array<i32>} : memref<16x128xf32, #tpu.memory_space<vmem>>, vector<16xf32>,
        %gather3A_139 = tpu.vector_load_idx %arg7[%broadcast_in_dim3A, %get3A_15] : memref<16x2048xf32, #tpu.memory_space<vmem>>[vector<16xi32>, vector<16xi32>], vector<16xf32>,
        %swap3A_140 = arith.index_cast %scan3A_116 : i32 to index
        %swap3A_141 = arith.constant 96 : index
        %swap3A_142 = tpu.vector_load %arg9[%swap3A_140, %swap3A_141] {strides = array<i32>} : memref<16x128xf32, #tpu.memory_space<vmem>>, vector<16xf32>,
        tpu.vector_store %arg9[%swap3A_140, %swap3A_141], %gather3A_139 {strides = array<i32>} : memref<16x128xf32, #tpu.memory_space<vmem>>, vector<16xf32>,
        %gather3A_143 = tpu.vector_load_idx %arg7[%broadcast_in_dim3A, %get3A_17] : memref<16x2048xf32, #tpu.memory_space<vmem>>[vector<16xi32>, vector<16xi32>], vector<16xf32>,
        %swap3A_144 = arith.index_cast %scan3A_116 : i32 to index
        %swap3A_145 = arith.constant 112 : index
        %swap3A_146 = tpu.vector_load %arg9[%swap3A_144, %swap3A_145] {strides = array<i32>} : memref<16x128xf32, #tpu.memory_space<vmem>>, vector<16xf32>,
        tpu.vector_store %arg9[%swap3A_144, %swap3A_145], %gather3A_143 {strides = array<i32>} : memref<16x128xf32, #tpu.memory_space<vmem>>, vector<16xf32>,
      }
      %scan3A_101 = arith.constant 16 : i32
      %add3A_102 = arith.constant 1 : i32
      %add3A_103 = arith.addi %mul3A_51, %add3A_102 : i32
      %mul3A_104 = arith.constant 16 : i32
      %mul3A_105 = arith.muli %add3A_103, %mul3A_104 : i32
      %add3A_106 = arith.addi %mul3A_2, %mul3A_105 : i32
      %dma_start3A_107 = arith.constant 0 : i32
      %dma_start3A_108 = tpu.memref_slice %arg4[%add3A_106, %dma_start3A_107] : memref<3072x128xf32, #tpu.memory_space<hbm>> -> memref<16x128xf32, #tpu.memory_space<hbm>>
      %dma_start3A_109 = arith.constant 0 : i32
      %dma_start3A_110 = tpu.memref_slice %arg4[%add3A_106, %dma_start3A_109] : memref<3072x128xf32, #tpu.memory_space<hbm>> -> memref<16x128xf32, #tpu.memory_space<hbm>>
      tpu.enqueue_dma source(%arg9 : memref<16x128xf32, #tpu.memory_space<vmem>>) target(%dma_start3A_110 : memref<16x128xf32, #tpu.memory_space<hbm>>) target_semaphore(%arg13 : memref<!tpu.dma_semaphore, #tpu.memory_space<semaphore_mem>>)
      %lt3A_111 = arith.constant 2 : i32
      %lt3A_112 = arith.cmpi slt, %scan3A_49, %lt3A_111 : i32
      %convert_element_type3A_113 = arith.extui %lt3A_112 : i1 to i32
      %cond3A_114 = arith.constant 0 : i32
      %cond3A_115 = arith.cmpi ne, %convert_element_type3A_113, %cond3A_114 : i32
      scf.if %cond3A_115 {
        %add3A_116 = arith.constant 3 : i32
        %add3A_117 = arith.addi %mul3A_51, %add3A_116 : i32
        %add3A_118 = arith.constant 5120 : i32
        %add3A_119 = arith.addi %add3A_118, %mul3A_2 : i32
        %mul3A_120 = arith.constant 16 : i32
        %mul3A_121 = arith.muli %add3A_117, %mul3A_120 : i32
        %add3A_122 = arith.addi %add3A_119, %mul3A_121 : i32
        %dma_start3A_123 = arith.constant 0 : i32
        %dma_start3A_124 = tpu.memref_slice %arg2[%add3A_122, %dma_start3A_123] : memref<8192x2048xf32, #tpu.memory_space<hbm>> -> memref<16x2048xf32, #tpu.memory_space<hbm>>
        %dma_start3A_125 = arith.constant 0 : i32
        %dma_start3A_126 = tpu.memref_slice %arg2[%add3A_122, %dma_start3A_125] : memref<8192x2048xf32, #tpu.memory_space<hbm>> -> memref<16x2048xf32, #tpu.memory_space<hbm>>
        tpu.enqueue_dma source(%dma_start3A_126 : memref<16x2048xf32, #tpu.memory_space<hbm>>) target(%arg7 : memref<16x2048xf32, #tpu.memory_space<vmem>>) target_semaphore(%arg11 : memref<!tpu.dma_semaphore, #tpu.memory_space<semaphore_mem>>)
      } else {
      }
    }
    %scan3A_37 = arith.constant 3 : i32
    %add3A_38 = arith.constant 64 : i32
    %add3A_39 = arith.addi %mul3A_2, %add3A_38 : i32
    %dma_wait3A = arith.constant 0 : i32
    %dma_wait3A_40 = tpu.memref_slice %arg4[%add3A_39, %dma_wait3A] : memref<3072x128xf32, #tpu.memory_space<hbm>> -> memref<16x128xf32, #tpu.memory_space<hbm>>
    %dma_wait3A_41 = arith.constant 0 : i32
    %dma_wait3A_42 = tpu.memref_slice %arg4[%add3A_39, %dma_wait3A_41] : memref<3072x128xf32, #tpu.memory_space<hbm>> -> memref<16x128xf32, #tpu.memory_space<hbm>>
    tpu.wait_dma2 semaphore(%arg12 : memref<!tpu.dma_semaphore, #tpu.memory_space<semaphore_mem>>) src(%arg8 : memref<16x128xf32, #tpu.memory_space<vmem>>) dst(%dma_wait3A_42 : memref<16x128xf32, #tpu.memory_space<hbm>>)
    %add3A_43 = arith.constant 80 : i32
    %add3A_44 = arith.addi %mul3A_2, %add3A_43 : i32
    %dma_wait3A_45 = arith.constant 0 : i32
    %dma_wait3A_46 = tpu.memref_slice %arg4[%add3A_44, %dma_wait3A_45] : memref<3072x128xf32, #tpu.memory_space<hbm>> -> memref<16x128xf32, #tpu.memory_space<hbm>>
    %dma_wait3A_47 = arith.constant 0 : i32
    %dma_wait3A_48 = tpu.memref_slice %arg4[%add3A_44, %dma_wait3A_47] : memref<3072x128xf32, #tpu.memory_space<hbm>> -> memref<16x128xf32, #tpu.memory_space<hbm>>
    tpu.wait_dma2 semaphore(%arg13 : memref<!tpu.dma_semaphore, #tpu.memory_space<semaphore_mem>>) src(%arg9 : memref<16x128xf32, #tpu.memory_space<vmem>>) dst(%dma_wait3A_48 : memref<16x128xf32, #tpu.memory_space<hbm>>)
    return
  }
}

module attributes {stable_mosaic.version = 14 : i64} {
  func.func @body(%arg0: i32, %arg1: memref<8x128xi32, #tpu.memory_space<vmem>>, %arg2: memref<1024x2048xf32, #tpu.memory_space<vmem>>, %arg3: memref<1024x128xf32, #tpu.memory_space<vmem>>, %arg4: memref<2048x128xf32, #tpu.memory_space<vmem>>) attributes {dimension_semantics = [#tpu.dimension_semantics<arbitrary>], iteration_bounds = array<i64: 5>, scalar_prefetch = 0 : i64, scratch_operands = 1 : i64, tpu.core_type = #tpu.core_type<tc>, window_params = [{pipeline_mode = #tpu.pipeline_mode<synchronous>, transform_indices = @transform_0, window_bounds = array<i64: 8, 128>}, {transform_indices = @transform_1, window_bounds = array<i64: 1024, 2048>}, {transform_indices = @transform_2, window_bounds = array<i64: 1024, 128>}]} {
    %eq3A = arith.constant 0 : i32
    %eq3A_0 = arith.cmpi eq, %arg0, %eq3A : i32
    %convert_element_type3A = arith.extui %eq3A_0 : i1 to i32
    %cond3A = arith.constant 0 : i32
    %cond3A_1 = arith.cmpi ne, %convert_element_type3A, %cond3A : i32
    scf.if %cond3A_1 {
      %iota3A = tpu.iota {dimensions = array<i32: 0>} : vector<2048x128xi32>
      %get3A_10 = arith.constant 0 : index
      %get3A_11 = arith.constant 0 : index
      %get3A_12 = vector.load %arg1[%get3A_10, %get3A_11] : memref<8x128xi32, #tpu.memory_space<vmem>>, vector<1x128xi32>
      %get3A_13 = vector.shape_cast %get3A_12 : vector<1x128xi32> to vector<128xi32>
      %broadcast_in_dim3A = vector.shape_cast %get3A_13 : vector<128xi32> to vector<1x128xi32>
      %eq3A_14 = vector.broadcast %broadcast_in_dim3A : vector<1x128xi32> to vector<2048x128xi32>
      %eq3A_15 = arith.cmpi eq, %iota3A, %eq3A_14 : vector<2048x128xi32>
      %jit3A = arith.constant 1.000000e+00 : f32
      %jit3A_16 = arith.constant 0.000000e+00 : f32
      %broadcast_in_dim3A_17 = vector.broadcast %jit3A : f32 to vector<2048x128xf32>
      %broadcast_in_dim3A_18 = vector.broadcast %jit3A_16 : f32 to vector<2048x128xf32>
      %select_n3A = arith.select %eq3A_15, %broadcast_in_dim3A_17, %broadcast_in_dim3A_18 : vector<2048x128xi1>, vector<2048x128xf32>
      %swap3A_19 = arith.constant 0 : index
      %swap3A_20 = arith.constant 0 : index
      %swap3A_21 = vector.load %arg4[%swap3A_19, %swap3A_20] : memref<2048x128xf32, #tpu.memory_space<vmem>>, vector<2048x128xf32>
      tpu.vector_store %arg4[%swap3A_19, %swap3A_20], %select_n3A {strides = array<i32>} : memref<2048x128xf32, #tpu.memory_space<vmem>>, vector<2048x128xf32>,
    } else {
    }
    %get3A = arith.constant 0 : index
    %get3A_2 = arith.constant 0 : index
    %get3A_3 = vector.load %arg2[%get3A, %get3A_2] : memref<1024x2048xf32, #tpu.memory_space<vmem>>, vector<1024x2048xf32>
    %get3A_4 = arith.constant 0 : index
    %get3A_5 = arith.constant 0 : index
    %get3A_6 = vector.load %arg4[%get3A_4, %get3A_5] : memref<2048x128xf32, #tpu.memory_space<vmem>>, vector<2048x128xf32>
    %dot_general3A = arith.constant dense<0.000000e+00> : vector<1024x128xf32>
    %dot_general3A_7 = tpu.matmul %get3A_3, %get3A_6, %dot_general3A {dimension_numbers = #tpu.dot_dimension_numbers<[1], [0], [0], [1], [0, 0, 1, 1], [], []>, transpose_lhs_hint = false} : vector<1024x2048xf32>, vector<2048x128xf32>, vector<1024x128xf32> -> vector<1024x128xf32>
    %swap3A = arith.constant 0 : index
    %swap3A_8 = arith.constant 0 : index
    %swap3A_9 = vector.load %arg3[%swap3A, %swap3A_8] : memref<1024x128xf32, #tpu.memory_space<vmem>>, vector<1024x128xf32>
    tpu.vector_store %arg3[%swap3A, %swap3A_8], %dot_general3A_7 {strides = array<i32>} : memref<1024x128xf32, #tpu.memory_space<vmem>>, vector<1024x128xf32>,
    return
  }
  func.func @transform_0(%arg0: i32) -> (i32, i32) {
    %c0_i32 = arith.constant 0 : i32
    %c0_i32_0 = arith.constant 0 : i32
    %c0_i32_1 = arith.constant 0 : i32
    return %c0_i32, %c0_i32_0 : i32, i32
  }
  func.func @transform_1(%arg0: i32) -> (i32, i32) {
    %c0_i32 = arith.constant 0 : i32
    %c0_i32_0 = arith.constant 0 : i32
    return %arg0, %c0_i32 : i32, i32
  }
  func.func @transform_2(%arg0: i32) -> (i32, i32) {
    %c0_i32 = arith.constant 0 : i32
    %c0_i32_0 = arith.constant 0 : i32
    return %arg0, %c0_i32 : i32, i32
  }
}

</mosaic_0001>

<sc_bundles>
// kernel: kernel.4.cloned.1.call-start
scs
__scs_entry_jumppad:
0x0: {  	(pc) =	sbr.rel $0x88, $3  }
0x1: {  	(tag) =	ssettag $0x0;
	lr =	simm.s32 $0x1  }
0x2: {  	[smem:$0x3F9F] =	sst lr;
	_ =	strace $0xD0000000  }
0x3: {  	_ = 	snop  }
0x4: {  	_ = 	snop  }
0x5: {  	_ = 	snop  }
0x6: {  	_ = 	snop  }
0x7: {  	_ = 	snop  }
__scs_overlays_trampoline_lowered:
0x8: {  	[smem:$0x3FAE] =	sst s0  }
0x9: {  	[smem:$0x3FAF] =	sst s1  }
0xa: {  	[smem:$0x3FB0] =	sst s2  }
0xb: {  	[smem:$0x3FB1] =	sst s3  }
0xc: {  	[smem:$0x3FB2] =	sst s4  }
0xd: {  	[smem:$0x3FB3] =	sst s5  }
0xe: {  	[smem:$0x3FB4] =	sst s6  }
0xf: {  	[smem:$0x3FB5] =	sst s7  }
0x10: {  	[smem:$0x3FB6] =	sst s8  }
0x11: {  	[smem:$0x3FB7] =	sst s9;
	s0 =	simm.s32 @!p0 $0x0  }
0x12: {  	s1 =	sld [smem:$0x3F9D];
	s0 =	simm.s32 @p0 $0x1  }
0x13: {  	[smem:$0x3FB8] =	sst s0;
	s0 =	simm.s32 @!p1 $0x0  }
0x14: {  	s2 =	sld [smem:$0x3F9C];
	s0 =	simm.s32 @p1 $0x1  }
0x15: {  	[smem:$0x3FB9] =	sst s0;
	s0 =	simm.s32 @!p2 $0x0  }
0x16: {  	s3 =	sld [smem:$0x3FDB];
	s0 =	simm.s32 @p2 $0x1  }
0x17: {  	s4 =	simm.s32 $0x1BF5;
	[smem:$0x3FBB] =	sst s0  }
0x18: {  	s0 =	sld [smem:$0x3F9E];
	_ =	swait.ge [sflag:s4], $0x0  }
0x19: {  	s7 =	sld [smem:$0x3F9F]  }
0x1a: {  	s8 =	sadd.s32 $0xFFFFE003, lr  }
0x1b: {  	s9 =	sadd.s32 $0xFFFFFEF7, lr;
	s5 =	simm.s32 $0xFFFFFFFF;
	p2 =	slt.u32 s8, $0xFFFFF086  }
0x1c: {  	p1 =	slt.u32 s9, $0xF7A;
	s5 =	simm.s32 @!p2 $0x0  }
0x1d: {  	s5 =	simm.s32 @p1 $0x1;
	p0 =	seq.s32 s7, s2  }
0x1e: {  	s7 =	smul.u32 @!p0 $0xF7A, s2;
	p2 =	seq.s32 @!p0 s5, $0x0  }
0x1f: {  	s9 =	smul.u32 $0xF7A, s1;
	s8 =	simm.s32 @!p0 $0x1BF5;
	p2 =	por !p2, p0  }
0x20: {  	[sflag:s8] =	ssyncset.s32 @!p0 $0xFFFFF086;
	s6 =	sadd.s32 @!p0 s3, s7;
	s7 =	simm.s32 @!p0 $0x108  }
0x21: {  	s3 =	sadd.s32 s3, s9;
	s6 =	sadd.s32 @!p0 $0x88, s6;
	s7 =	simm.s32 @p2 $0x1082  }
0x22: {  	[simem:s7], [sflag:s8] =	dma.local @!p0 [hbm:s6], $0xF7A  }
0x23: {  	s9 =	sor.u32 $0xD0000000, s2;
	s6 =	simm.s32 $0x108;
	_ =	swait.ge @!p0 [sflag:s8], $0x0  }
0x24: {  	s3 =	sadd.s32 $0x88, s3;
	s6 =	simm.s32 @!p1 $0x1082;
	[sflag:s4] =	ssyncset.s32 $0xFFFFF086  }
0x25: {  	[simem:s6], [sflag:s4] =	dma.local [hbm:s3], $0xF7A  }
0x26: {  	[smem:$0x3F9F] =	sst s1;
	(tag) =	ssettag s2;
	_ =	strace s9  }
0x27: {  	s1 =	sld [smem:$0x3FAF]  }
0x28: {  	s2 =	sld [smem:$0x3FB0]  }
0x29: {  	s4 =	sld [smem:$0x3FB2]  }
0x2a: {  	p0 =	seq.s32 s5, $0x0;
	s5 =	sld [smem:$0x3FB3]  }
0x2b: {  	s6 =	sld [smem:$0x3FB4]  }
0x2c: {  	s7 =	sld [smem:$0x3FB5]  }
0x2d: {  	s3 =	simm.s32 $0x108;
	s8 =	sld [smem:$0x3FB6]  }
0x2e: {  	s3 =	simm.s32 @!p0 $0x1082;
	s9 =	sld [smem:$0x3FB7]  }
0x2f: {  	lr =	sadd.s32 s0, s3;
	s0 =	sld [smem:$0x3FAE]  }
0x30: {  	s3 =	sld [smem:$0x3FB1]  }
0x31: {  	[smem:$0x3FBA] =	sst s10  }
0x32: {  	s10 =	sld [smem:$0x3FB8];
	_ =	sdelay $0x3  }
0x33: {  	p0 =	seq.s32 s10, $0x1;
	s10 =	sld [smem:$0x3FBA];
	_ =	sdelay $0x3  }
0x34: {  	[smem:$0x3FBA] =	sst s10  }
0x35: {  	s10 =	sld [smem:$0x3FB9];
	_ =	sdelay $0x3  }
0x36: {  	p1 =	seq.s32 s10, $0x1;
	s10 =	sld [smem:$0x3FBA];
	_ =	sdelay $0x3  }
0x37: {  	[smem:$0x3FBA] =	sst s10  }
0x38: {  	s10 =	sld [smem:$0x3FBB]  }
0x39: {  	_ = 	snop;
	(pc) =	sbr.ind lr, $3  }
0x3a: {  	_ = 	snop  }
0x3b: {  	_ = 	snop  }
0x3c: {  	p2 =	seq.s32 s10, $0x1;
	s10 =	sld [smem:$0x3FBA]  }
0x3d: {  	_ =	shalt  }
0x3e: {  	_ =	shalt  }
0x3f: {  	_ =	shalt  }
0x40: {  	_ =	shalt  }
0x41: {  	_ =	shalt  }
0x42: {  	_ =	shalt  }
0x43: {  	_ =	shalt  }
0x44: {  	_ =	shalt  }
0x45: {  	_ =	shalt  }
0x46: {  	_ =	shalt  }
0x47: {  	_ =	shalt  }
0x48: {  	_ =	shalt  }
0x49: {  	_ =	shalt  }
0x4a: {  	_ =	shalt  }
0x4b: {  	_ =	shalt  }
0x4c: {  	_ =	shalt  }
0x4d: {  	_ =	shalt  }
0x4e: {  	_ =	shalt  }
0x4f: {  	_ =	shalt  }
0x50: {  	_ =	shalt  }
0x51: {  	_ =	shalt  }
0x52: {  	_ =	shalt  }
0x53: {  	_ =	shalt  }
0x54: {  	_ =	shalt  }
0x55: {  	_ =	shalt  }
0x56: {  	_ =	shalt  }
0x57: {  	_ =	shalt  }
0x58: {  	_ =	shalt  }
0x59: {  	_ =	shalt  }
0x5a: {  	_ =	shalt  }
0x5b: {  	_ =	shalt  }
0x5c: {  	_ =	shalt  }
0x5d: {  	_ =	shalt  }
0x5e: {  	_ =	shalt  }
0x5f: {  	_ =	shalt  }
0x60: {  	_ =	shalt  }
0x61: {  	_ =	shalt  }
0x62: {  	_ =	shalt  }
0x63: {  	_ =	shalt  }
0x64: {  	_ =	shalt  }
0x65: {  	_ =	shalt  }
0x66: {  	_ =	shalt  }
0x67: {  	_ =	shalt  }
0x68: {  	_ =	shalt  }
0x69: {  	_ =	shalt  }
0x6a: {  	_ =	shalt  }
0x6b: {  	_ =	shalt  }
0x6c: {  	_ =	shalt  }
0x6d: {  	_ =	shalt  }
0x6e: {  	_ =	shalt  }
0x6f: {  	_ =	shalt  }
0x70: {  	_ =	shalt  }
0x71: {  	_ =	shalt  }
0x72: {  	_ =	shalt  }
0x73: {  	_ =	shalt  }
0x74: {  	_ =	shalt  }
0x75: {  	_ =	shalt  }
0x76: {  	_ =	shalt  }
0x77: {  	_ =	shalt  }
0x78: {  	_ =	shalt  }
0x79: {  	_ =	shalt  }
0x7a: {  	_ =	shalt  }
0x7b: {  	_ =	shalt  }
0x7c: {  	_ =	shalt  }
0x7d: {  	_ =	shalt  }
0x7e: {  	_ =	shalt  }
0x7f: {  	_ =	shalt  }
0x80: {  	_ =	shalt  }
0x81: {  	_ =	shalt  }
0x82: {  	_ =	shalt  }
0x83: {  	_ =	shalt  }
0x84: {  	_ =	shalt  }
0x85: {  	_ =	shalt  }
0x86: {  	_ =	shalt  }
0x87: {  	_ =	shalt  }
.Lfunc_end0:
.L_simem_size_0:
called_computation_lowered:
.L_overlay_start_0:
0x88: {  	s2 =	sld [smem:$0x3FD9]  }
0x89: {  	s3 =	sld [smem:$0x3FFE];
	_ =	sdelay $0x1  }
0x8a: {  	s1 =	srdreg.scid  }
0x8b: {  	s0 =	sand.u32 $0x1, s1  }
0x8c: {  	s17 =	sshll.u32 s0, $0xA;
	s2 =	sadd.s32 s3, s2  }
0x8d: {  	s2 =	sadd.s32 s2, s17  }
0x8e: {  	[smem:$0x3FC6] =	sst s2  }
0x8f: {  	_ = 	snop  }
0x90: {  	s2 =	sld [smem:$0x3FC9]  }
0x91: {  	s18 =	sld [smem:$0x3FC8];
	(tm) =	ssettm $0x1  }
0x92: {  	s4 =	sld [smem:$0x3FFB];
	_ =	sdelay $0x3  }
0x93: {  	_ =	strace s4  }
0x94: {  	s4 =	sld [smem:$0x3FFC];
	_ =	sdelay $0x3  }
0x95: {  	_ =	strace s4  }
0x96: {  	s4 =	sld [smem:$0x3FFD];
	_ =	sdelay $0x3  }
0x97: {  	_ =	strace s4  }
0x98: {  	_ =	strace $0x8FFFFFFF  }
0x99: {  	s19 =	sld [smem:$0x3FDB];
	_ =	sdelay $0x1  }
0x9a: {  	s5 =	simm.s32 $_scs_section_size  }
0x9b: {  	s6 =	simm.s32 $_size__tile_overlayer_lowered;
	s7 =	simm.s32 $_tile_overlayer_lowered  }
0x9c: {  	s22 =	simm.s32 $0x1BFF;
	s21 =	sshll.u32 s7, $0x1;
	s4 =	sadd.s32 s5, s19  }
0x9d: {  	s8 =	simm.s32 $0x0;
	s20 =	sshll.u32 s6, $0x1;
	s6 =	sadd.s32 s21, s4  }
0x9e: {  	[timem:s8], [sflag:s22] =	dma.local [hbm:s6], s20  }
0x9f: {  	_ =	swait.ge [sflag:s22], s20  }
0xa0: {  	s5 =	ssub.s32 $0x0, s20;
	[sflag:s22] =	ssyncset.done $0x0  }
0xa1: {  	[sflag:s22] =	ssyncadd.s32 s5;
	_ =	sdelay $0x1  }
0xa2: {  	s23 =	simm.s32 $0x1B8B  }
0xa3: {  	_ =	swait.ge [sflag:s23], $0x1  }
0xa4: {  	[sflag:s23] =	ssyncset.done $0x0  }
0xa5: {  	s25 =	simm.s32 $0x1B8E;
	s24 =	sld [smem:$0x3FFE];
	[sflag:s23] =	ssyncadd.s32 $0xFFFFFFFF  }
0xa6: {  	s26 =	simm.s32 $execute0_lowered;
	[smem:$0x3FD2] =	sst s25  }
0xa7: {  	s6 =	sshll.u32 s26, $0x1;
	_ =	strace $0x80000046;
	[dreg:$0x1] =	wrdreg $0xFFFFFFFF  }
0xa8: {  	s28 =	simm.s32 $_size_execute0_lowered;
	s4 =	sadd.s32 s4, s6;
	[dreg:$0x0] =	wrdreg $0x0  }
0xa9: {  	s6 =	sshll.u32 s28, $0x1;
	[dreg:$0x2] =	wrdreg s4  }
0xaa: {  	[dreg:$0x3] =	wrdreg s6  }
0xab: {  	[dreg:$0x4] =	wrdreg $0xC0  }
0xac: {  	_ =	task [dreg:s8], $0x5FFFF  }
0xad: {  	[dreg:$0x1] =	wrdreg $0xFFFFFFFF  }
0xae: {  	[dreg:$0x0] =	wrdreg $0x60  }
0xaf: {  	[dreg:$0x2] =	wrdreg s2  }
0xb0: {  	[dreg:$0x3] =	wrdreg s18  }
0xb1: {  	[dreg:$0x4] =	wrdreg s24  }
0xb2: {  	[dreg:$0x5] =	wrdreg $0x9  }
0xb3: {  	_ =	task.clear_ibuf [dreg:s8], $0x6FFFF;
	_ =	strace $0x90000046  }
0xb4: {  	s29 =	simm.s32 $0x9;
	_ =	strace $0x80000048  }
0xb5: {  	_ =	swait.ge [sflag:s29], $0x1  }
0xb6: {  	[sflag:s29] =	ssyncadd.s32 $0xFFFFFFFF  }
0xb7: {  	_ =	strace $0x90000048  }
0xb8: {  	_ =	sfence  }
0xb9: {  	s30 =	sld [smem:$0x0];
	_ =	sdelay $0x2  }
0xba: {  	s31 =	sshll.u32 s1, $0xD;
	s1 =	sshrl.u32 s1, $0x2  }
0xbb: {  	s3 =	sand.u32 $0x4000, s31;
	s1 =	sadd.s32 s1, s30  }
0xbc: {  	s0 =	sor.u32 s3, s0;
	s1 =	sshll.u32 s1, $0x11  }
0xbd: {  	s0 =	sor.u32 s1, s0  }
0xbe: {  	s0 =	sadd.s32 $0x8F2B, s0  }
0xbf: {  	[sflag:s0] =	ssyncadd.remote.s32 $0x1  }
0xc0: {  	_ =	sfence.sel $0xFFFF  }
0xc1: {  	[dreg:$0x0] =	wrdreg $0xFFFFFFFF;
	(pc) =	sbr.abs _section_cstart, $3  }
0xc2: {  	[dreg:$0x1] =	wrdreg $0xFFFFFFFF  }
0xc3: {  	_ =	task.clear_ibuf [dreg:s8], $0x2FFFF;
	_ =	strace $0x9FFFFFFF  }
0xc4: {  	(tm) =	ssettm $0x7FFFFFFF  }
0xc5: {  	_ =	shalt  }
tec
execute0_lowered:
.L_overlay_start_1:
0x0: {  	(tag) =	ssettag $0x1  }
0x1: {  	s1 =	rddreg [dreg:$0x0]  }
0x2: {  	s3 =	rddreg [dreg:$0x1]  }
0x3: {  	s2 =	srdreg.scid;
	s0 =	stileid.u32  }
0x4: {  	s5 =	rddreg [dreg:$0x2];
	s4 =	simm.s32 $0x0;
	s13 =	simm.s32 $0x5  }
0x5: {  	s14 =	simm.s32 $0x80;
	s15 =	simm.s32 $0x8080;
	s16 =	simm.s32 $0x1  }
0x6: {  	s17 =	simm.s32 $0x10080;
	s6 =	sand.u32 $0x1, s2;
	s7 =	sshll.u32 s0, $0x1  }
0x7: {  	s18 =	simm.s32 $0x2;
	s19 =	simm.s32 $0x4;
	s8 =	sor.u32 s6, s7  }
0x8: {  	s20 =	simm.s32 $0x10880;
	s21 =	simm.s32 $0x3;
	s7 =	smul.u32 $0x30000, s8  }
0x9: {  	s22 =	simm.s32 $0x0;
	s2 =	rddreg [dreg:$0x3];
	s9 =	smul.u32 $0x6000, s8  }
0xa: {  	[smem:$0x7FF] =	sst s4;
	s6 =	ssub.s32 $0x2, s6;
	s11 =	smul.u32 $0x60, s8  }
.Ltmp0:
0xb: {  	s5 =	sadd.s32 $0x600, s5;
	s10 =	sshrl.u32 s6, $0x1;
	(pc) =	sbr.rel .LBB2_1-.Ltmp0, $4  }
0xc: {  	_ =	strace $0x80000047;
	s8 =	smul.u32 $0x3000, s8;
	s12 =	ssub.s32 s6, s10  }
0xd: {  	s7 =	sshrl.u32 s7, $0x3;
	s9 =	sadd.s32 s1, s9;
	s10 =	sor.u32 $0x10, s11  }
0xe: {  	s12 =	smax.u32 s12, $0x1;
	s7 =	sadd.s32 s1, s7;
	s6 =	sadd.s32 $0x140000, s9  }
0xf: {  	s9 =	sadd.s32 $0x1420, s11;
	s11 =	sadd.s32 $0x1430, s11;
	s7 =	sadd.s32 $0x141000, s7  }
.LBB2_12:
0x10: {  	s22 =	sadd.s32 $0x1, s22  }
0x11: {  	_ =	swait.ge [sflag:s21], $0x800;
	p0 =	sne.s32 s22, s12  }
.Ltmp1:
0x12: {  	[sflag:s21] =	ssyncset.done $0x0;
	(pc) =	sbr.rel @!p0 .LBB2_13-.Ltmp1, $4  }
0x13: {  	[sflag:s21] =	ssyncadd.s32 $0xFFFFF800  }
0x14: {  	_ =	swait.ge [sflag:s19], $0x800  }
0x15: {  	[sflag:s19] =	ssyncset.done $0x0  }
0x16: {  	[sflag:s19] =	ssyncadd.s32 $0xFFFFF800  }
.LBB2_1:
0x17: {  	[tilespmem:s4], [sflag:$0x5] =	stream.linear.gather [hbm4b:s3+s4], $0x80, $0x38;
	[tilespmem:$0x11080] =	vst v63  }
0x18: {  	_ =	swait.ge [sflag:s13], $0x80  }
0x19: {  	[sflag:s13] =	ssyncset.done $0x0  }
0x1a: {  	[sflag:s13] =	ssyncadd.s32 $0xFFFFFF80  }
0x1b: {  	v0 =	vld [tilespmem:$0x0]  }
0x1c: {  	v1 =	vld [tilespmem:$0x10]  }
0x1d: {  	v3 =	vld [tilespmem:$0x30]  }
0x1e: {  	v7 =	vld [tilespmem:$0x50]  }
0x1f: {  	v8 =	vld [tilespmem:$0x60]  }
0x20: {  	v2 =	vld [tilespmem:$0x20]  }
0x21: {  	v5 =	vand.u32 $0x7F, v0;
	v0 =	vshll.u32 v0, $0x3  }
0x22: {  	v4 =	vld [tilespmem:$0x40];
	v6 =	vshll.u32 v1, $0x3;
	v1 =	vand.u32 $0x7F, v1;
	v9 =	vshll.u32 v3, $0x3  }
0x23: {  	v3 =	vand.u32 $0x7F, v3;
	v62 =	vshll.u32 v7, $0x3;
	v0 =	vand.u32 $0xFFFFFC00, v0  }
0x24: {  	v63 =	vand.u32 $0x7F, v8;
	v6 =	vand.u32 $0xFFFFFC00, v6;
	v0 =	vor.u32 v5, v0;
	v5 =	vld [tilespmem:$0x70]  }
0x25: {  	v1 =	vor.u32 v1, v6;
	v6 =	vand.u32 $0x7F, v2;
	v2 =	vshll.u32 v2, $0x3  }
0x26: {  	v8 =	vshll.u32 v8, $0x3;
	v9 =	vand.u32 $0xFFFFFC00, v9;
	v2 =	vand.u32 $0xFFFFFC00, v2  }
0x27: {  	v8 =	vand.u32 $0xFFFFFC00, v8;
	v2 =	vor.u32 v6, v2;
	v6 =	vshll.u32 v4, $0x3  }
0x28: {  	v3 =	vor.u32 v3, v9;
	v4 =	vand.u32 $0x7F, v4;
	v6 =	vand.u32 $0xFFFFFC00, v6  }
0x29: {  	[tilespmem:s14], [sflag:$0x1] =	stream.linear.gather [hbm4b:s6+s4], $0x8000, $0x38;
	v4 =	vor.u32 v4, v6;
	v6 =	vand.u32 $0x7F, v7;
	v10 =	vshll.u32 v5, $0x3;
	[tilespmem:$0x11080] =	vst v63  }
0x2a: {  	s23 =	simm.s32 $0x0;
	v7 =	vand.u32 $0xFFFFFC00, v62;
	v11 =	vand.u32 $0x7F, v5;
	v10 =	vand.u32 $0xFFFFFC00, v10  }
0x2b: {  	[tilespmem:s15], [sflag:$0x2] =	stream.linear.gather [hbm4b:s7+s4], $0x8000, $0x38;
	v5 =	vor.u32 v6, v7;
	v6 =	vor.u32 v63, v8;
	v7 =	vor.u32 v11, v10;
	[tilespmem:$0x11080] =	vst v63  }
.LBB2_2:
0x2c: {  	s24 =	simm.s32 $0x0  }
0x2d: {  	v8 =	vmov s24  }
0x2e: {  	v9 =	vshll.u32 v8, $0xB  }
0x2f: {  	v8 =	vshll.u32 v8, $0x7;
	v9 =	vand.u32 $0x4000, v9  }
0x30: {  	_ =	swait.ge [sflag:s16], $0x8000;
	v8 =	vand.u32 $0x380, v8;
	v10 =	vadd.s32 v0, v9  }
0x31: {  	p0 =	seq.s32 s23, $0x0;
	[sflag:s16] =	ssyncset.done $0x0;
	v10 =	vor.u32 v8, v10  }
0x32: {  	s24 =	simm.s32 @!p0 $0x3;
	[sflag:s16] =	ssyncadd.s32 $0xFFFF8000  }
0x33: {  	_ =	swait.ge @!p0 [sflag:s24], $0x800  }
0x34: {  	[sflag:s24] =	ssyncset.done @!p0 $0x0  }
0x35: {  	[sflag:s24] =	ssyncadd.s32 @!p0 $0xFFFFF800  }
0x36: {  	v11 =	vadd.s32 v1, v9;
	v10 =	vld.idx.msk [tilespmem:v10+s14+$0x0], $0xffff  }
0x37: {  	v11 =	vor.u32 v8, v11;
	_ =	sdelay $0x2  }
0x38: {  	s25 =	simm.s32 $0x100C0  }
0x39: {  	[tilespmem:s25+$0xFFFFFFC0] =	vst v10  }
0x3a: {  	v10 =	vld.idx.msk [tilespmem:v11+s14+$0x0], $0xffff;
	v11 =	vadd.s32 v2, v9  }
0x3b: {  	v11 =	vor.u32 v8, v11;
	_ =	sdelay $0x3  }
0x3c: {  	[tilespmem:s25+$0xFFFFFFD0] =	vst v10  }
0x3d: {  	v10 =	vld.idx.msk [tilespmem:v11+s14+$0x0], $0xffff;
	v11 =	vadd.s32 v3, v9  }
0x3e: {  	v11 =	vor.u32 v8, v11;
	_ =	sdelay $0x3  }
0x3f: {  	[tilespmem:s25+$0xFFFFFFE0] =	vst v10  }
0x40: {  	v10 =	vld.idx.msk [tilespmem:v11+s14+$0x0], $0xffff;
	v11 =	vadd.s32 v4, v9  }
0x41: {  	v11 =	vor.u32 v8, v11;
	_ =	sdelay $0x3  }
0x42: {  	[tilespmem:s25+$0xFFFFFFF0] =	vst v10  }
0x43: {  	v10 =	vld.idx.msk [tilespmem:v11+s14+$0x0], $0xffff;
	v11 =	vadd.s32 v5, v9  }
0x44: {  	v11 =	vor.u32 v8, v11;
	_ =	sdelay $0x3  }
0x45: {  	[tilespmem:s25+$0x0] =	vst v10  }
0x46: {  	v10 =	vld.idx.msk [tilespmem:v11+s14+$0x0], $0xffff;
	v11 =	vadd.s32 v6, v9  }
0x47: {  	v11 =	vor.u32 v8, v11;
	_ =	sdelay $0x3  }
0x48: {  	[tilespmem:s25+$0x10] =	vst v10  }
0x49: {  	v10 =	vadd.s32 v7, v9;
	v9 =	vld.idx.msk [tilespmem:v11+s14+$0x0], $0xffff  }
0x4a: {  	v8 =	vor.u32 v8, v10;
	_ =	sdelay $0x1  }
0x4b: {  	s26 =	simm.s32 $0x1  }
0x4c: {  	s24 =	sshll.u32 s23, $0x5;
	v10 =	vmov s26;
	s26 =	simm.s32 $0x2  }
.LBB2_3:
0x4d: {  	p1 =	sne.s32 s26, $0xF;
	v11 =	vshll.u32 v10, $0xB;
	[tilespmem:s25+$0x20] =	vst v9  }
0x4e: {  	v9 =	vshll.u32 v10, $0x7;
	v11 =	vand.u32 $0x4000, v11;
	v8 =	vld.idx.msk [tilespmem:v8+s14+$0x0], $0xffff  }
0x4f: {  	v10 =	vand.u32 $0x380, v9;
	v9 =	vadd.s32 v0, v11  }
0x50: {  	v9 =	vor.u32 v10, v9;
	_ =	sdelay $0x3  }
0x51: {  	[tilespmem:s25+$0x30] =	vst v8  }
0x52: {  	v8 =	vld.idx.msk [tilespmem:v9+s14+$0x0], $0xffff  }
0x53: {  	v9 =	vadd.s32 v1, v11  }
0x54: {  	v9 =	vor.u32 v10, v9;
	_ =	sdelay $0x2  }
0x55: {  	s25 =	sadd.s32 $0x80, s25  }
0x56: {  	[tilespmem:s25+$0xFFFFFFC0] =	vst v8  }
0x57: {  	v8 =	vld.idx.msk [tilespmem:v9+s14+$0x0], $0xffff  }
0x58: {  	v9 =	vadd.s32 v2, v11  }
0x59: {  	v9 =	vor.u32 v10, v9;
	_ =	sdelay $0x3  }
0x5a: {  	[tilespmem:s25+$0xFFFFFFD0] =	vst v8  }
0x5b: {  	v8 =	vld.idx.msk [tilespmem:v9+s14+$0x0], $0xffff  }
0x5c: {  	v9 =	vadd.s32 v3, v11  }
0x5d: {  	v9 =	vor.u32 v10, v9;
	_ =	sdelay $0x3  }
0x5e: {  	[tilespmem:s25+$0xFFFFFFE0] =	vst v8  }
0x5f: {  	v8 =	vld.idx.msk [tilespmem:v9+s14+$0x0], $0xffff  }
0x60: {  	v9 =	vadd.s32 v4, v11  }
0x61: {  	v9 =	vor.u32 v10, v9;
	_ =	sdelay $0x3  }
0x62: {  	[tilespmem:s25+$0xFFFFFFF0] =	vst v8  }
0x63: {  	v8 =	vld.idx.msk [tilespmem:v9+s14+$0x0], $0xffff  }
0x64: {  	v9 =	vadd.s32 v5, v11  }
0x65: {  	v9 =	vor.u32 v10, v9;
	_ =	sdelay $0x3  }
0x66: {  	[tilespmem:s25+$0x0] =	vst v8  }
0x67: {  	v8 =	vld.idx.msk [tilespmem:v9+s14+$0x0], $0xffff  }
0x68: {  	v9 =	vadd.s32 v6, v11  }
0x69: {  	v9 =	vor.u32 v10, v9;
	_ =	sdelay $0x3  }
0x6a: {  	[tilespmem:s25+$0x10] =	vst v8  }
0x6b: {  	v9 =	vld.idx.msk [tilespmem:v9+s14+$0x0], $0xffff  }
.Ltmp2:
0x6c: {  	v8 =	vadd.s32 v7, v11;
	(pc) =	sbr.rel @p1 .LBB2_3-.Ltmp2, $2  }
0x6d: {  	v8 =	vor.u32 v10, v8;
	_ =	sdelay $0x2  }
0x6e: {  	v10 =	vmov s26;
	s26 =	sadd.s32 $0x1, s26  }
0x6f: {  	_ =	sdelay $0x1  }
0x70: {  	v11 =	vshll.u32 v10, $0xB  }
0x71: {  	[tilespmem:s25+$0x20] =	vst v9;
	v57 =	vshll.u32 v10, $0x7;
	v56 =	vand.u32 $0x4000, v11  }
0x72: {  	v8 =	vld.idx.msk [tilespmem:v8+s14+$0x0], $0xffff;
	v10 =	vand.u32 $0x380, v57;
	v11 =	vadd.s32 v0, v56  }
0x73: {  	v11 =	vor.u32 v10, v11;
	_ =	sdelay $0x3  }
0x74: {  	[tilespmem:s25+$0x30] =	vst v8  }
0x75: {  	v58 =	vadd.s32 v1, v56;
	v8 =	vld.idx.msk [tilespmem:v11+s14+$0x0], $0xffff  }
0x76: {  	v11 =	vor.u32 v10, v58;
	_ =	sdelay $0x2  }
0x77: {  	s30 =	sadd.s32 $0x80, s25  }
0x78: {  	[tilespmem:s30+$0xFFFFFFC0] =	vst v8  }
0x79: {  	v59 =	vadd.s32 v2, v56;
	v8 =	vld.idx.msk [tilespmem:v11+s14+$0x0], $0xffff  }
0x7a: {  	v11 =	vor.u32 v10, v59;
	_ =	sdelay $0x3  }
0x7b: {  	[tilespmem:s30+$0xFFFFFFD0] =	vst v8  }
0x7c: {  	v60 =	vadd.s32 v3, v56;
	v8 =	vld.idx.msk [tilespmem:v11+s14+$0x0], $0xffff  }
0x7d: {  	v11 =	vor.u32 v10, v60;
	_ =	sdelay $0x3  }
0x7e: {  	[tilespmem:s30+$0xFFFFFFE0] =	vst v8  }
0x7f: {  	v61 =	vadd.s32 v4, v56;
	v8 =	vld.idx.msk [tilespmem:v11+s14+$0x0], $0xffff  }
0x80: {  	v11 =	vor.u32 v10, v61;
	_ =	sdelay $0x3  }
0x81: {  	[tilespmem:s30+$0xFFFFFFF0] =	vst v8  }
0x82: {  	v62 =	vadd.s32 v5, v56;
	v8 =	vld.idx.msk [tilespmem:v11+s14+$0x0], $0xffff  }
0x83: {  	v11 =	vor.u32 v10, v62;
	_ =	sdelay $0x3  }
0x84: {  	[tilespmem:s30+$0x0] =	vst v8  }
0x85: {  	v63 =	vadd.s32 v6, v56;
	v8 =	vld.idx.msk [tilespmem:v11+s14+$0x0], $0xffff  }
0x86: {  	v11 =	vor.u32 v10, v63;
	_ =	sdelay $0x3  }
0x87: {  	[tilespmem:s30+$0x10] =	vst v8  }
0x88: {  	v9 =	vadd.s32 v7, v56;
	v8 =	vld.idx.msk [tilespmem:v11+s14+$0x0], $0xffff  }
0x89: {  	v9 =	vor.u32 v10, v9;
	_ =	sdelay $0x3  }
0x8a: {  	[tilespmem:s30+$0x20] =	vst v8  }
0x8b: {  	v8 =	vld.idx.msk [tilespmem:v9+s14+$0x0], $0xffff  }
0x8c: {  	p1 =	sne.s32 s23, $0x2  }
.Ltmp3:
0x8d: {  	s26 =	sshll.u32 s23, $0xC;
	(pc) =	sbr.rel @p1 .LBB2_6-.Ltmp3, $4  }
0x8e: {  	s26 =	sadd.s32 s8, s26  }
0x8f: {  	s26 =	sshrl.u32 s26, $0x3  }
0x90: {  	s31 =	sadd.s32 s5, s26;
	[tilespmem:s30+$0x30] =	vst v8  }
0x91: {  	[hbm4b:s31+s4] =	stream.linear.scatter [tilespmem:s17], [sflag:$0x3], $0x800, $0x38;
	[tilespmem:$0x11080] =	vst v63  }
.Ltmp4:
0x92: {  	(pc) =	sbr.rel .LBB2_7-.Ltmp4, $4  }
0x93: {  	_ = 	snop  }
0x94: {  	_ =	swait.ge [sflag:s18], $0x8000  }
0x95: {  	[sflag:s18] =	ssyncset.done $0x0  }
0x96: {  	[sflag:s18] =	ssyncadd.s32 $0xFFFF8000  }
.LBB2_6:
0x97: {  	s25 =	sadd.s32 s24, s9  }
0x98: {  	s25 =	sshll.u32 s25, $0x8  }
.Ltmp5:
0x99: {  	s25 =	sadd.s32 s1, s25;
	(pc) =	sbr.rel @p0 .LBB2_8-.Ltmp5, $4  }
0x9a: {  	[tilespmem:s14], [sflag:$0x1] =	stream.linear.gather [hbm4b:s25+s4], $0x8000, $0x38;
	[tilespmem:$0x11080] =	vst v63  }
0x9b: {  	_ =	swait.ge [sflag:s18], $0x8000  }
0x9c: {  	[sflag:s18] =	ssyncset.done $0x0  }
0x9d: {  	[sflag:s18] =	ssyncadd.s32 $0xFFFF8000  }
.LBB2_7:
0x9e: {  	_ =	swait.ge [sflag:s19], $0x800  }
0x9f: {  	[sflag:s19] =	ssyncset.done $0x0  }
0xa0: {  	[sflag:s19] =	ssyncadd.s32 $0xFFFFF800  }
.LBB2_8:
0xa1: {  	s25 =	simm.s32 $0x0  }
0xa2: {  	v8 =	vmov s25  }
0xa3: {  	v9 =	vshll.u32 v8, $0xB  }
0xa4: {  	v8 =	vshll.u32 v8, $0x7;
	v9 =	vand.u32 $0x4000, v9  }
0xa5: {  	v8 =	vand.u32 $0x380, v8;
	v10 =	vadd.s32 v0, v9  }
0xa6: {  	v10 =	vor.u32 v8, v10;
	_ =	sdelay $0x4  }
0xa7: {  	v11 =	vadd.s32 v1, v9;
	v10 =	vld.idx.msk [tilespmem:v10+s15+$0x0], $0xffff  }
0xa8: {  	v11 =	vor.u32 v8, v11;
	_ =	sdelay $0x2  }
0xa9: {  	s25 =	simm.s32 $0x108C0  }
0xaa: {  	[tilespmem:s25+$0xFFFFFFC0] =	vst v10  }
0xab: {  	v10 =	vld.idx.msk [tilespmem:v11+s15+$0x0], $0xffff;
	v11 =	vadd.s32 v2, v9  }
0xac: {  	v11 =	vor.u32 v8, v11;
	_ =	sdelay $0x3  }
0xad: {  	[tilespmem:s25+$0xFFFFFFD0] =	vst v10  }
0xae: {  	v10 =	vld.idx.msk [tilespmem:v11+s15+$0x0], $0xffff;
	v11 =	vadd.s32 v3, v9  }
0xaf: {  	v11 =	vor.u32 v8, v11;
	_ =	sdelay $0x3  }
0xb0: {  	[tilespmem:s25+$0xFFFFFFE0] =	vst v10  }
0xb1: {  	v10 =	vld.idx.msk [tilespmem:v11+s15+$0x0], $0xffff;
	v11 =	vadd.s32 v4, v9  }
0xb2: {  	v11 =	vor.u32 v8, v11;
	_ =	sdelay $0x3  }
0xb3: {  	[tilespmem:s25+$0xFFFFFFF0] =	vst v10  }
0xb4: {  	v10 =	vld.idx.msk [tilespmem:v11+s15+$0x0], $0xffff;
	v11 =	vadd.s32 v5, v9  }
0xb5: {  	v11 =	vor.u32 v8, v11;
	_ =	sdelay $0x3  }
0xb6: {  	[tilespmem:s25+$0x0] =	vst v10  }
0xb7: {  	v10 =	vld.idx.msk [tilespmem:v11+s15+$0x0], $0xffff;
	v11 =	vadd.s32 v6, v9  }
0xb8: {  	v11 =	vor.u32 v8, v11;
	_ =	sdelay $0x3  }
0xb9: {  	[tilespmem:s25+$0x10] =	vst v10  }
0xba: {  	v10 =	vadd.s32 v7, v9;
	v9 =	vld.idx.msk [tilespmem:v11+s15+$0x0], $0xffff  }
0xbb: {  	v8 =	vor.u32 v8, v10;
	_ =	sdelay $0x1  }
0xbc: {  	s26 =	simm.s32 $0x1  }
0xbd: {  	v10 =	vmov s26;
	s26 =	simm.s32 $0x2  }
.LBB2_9:
0xbe: {  	p0 =	sne.s32 s26, $0xF;
	v11 =	vshll.u32 v10, $0xB;
	[tilespmem:s25+$0x20] =	vst v9  }
0xbf: {  	v9 =	vshll.u32 v10, $0x7;
	v11 =	vand.u32 $0x4000, v11;
	v8 =	vld.idx.msk [tilespmem:v8+s15+$0x0], $0xffff  }
0xc0: {  	v10 =	vand.u32 $0x380, v9;
	v9 =	vadd.s32 v0, v11  }
0xc1: {  	v9 =	vor.u32 v10, v9;
	_ =	sdelay $0x3  }
0xc2: {  	[tilespmem:s25+$0x30] =	vst v8  }
0xc3: {  	v8 =	vld.idx.msk [tilespmem:v9+s15+$0x0], $0xffff  }
0xc4: {  	v9 =	vadd.s32 v1, v11  }
0xc5: {  	v9 =	vor.u32 v10, v9;
	_ =	sdelay $0x2  }
0xc6: {  	s25 =	sadd.s32 $0x80, s25  }
0xc7: {  	[tilespmem:s25+$0xFFFFFFC0] =	vst v8  }
0xc8: {  	v8 =	vld.idx.msk [tilespmem:v9+s15+$0x0], $0xffff  }
0xc9: {  	v9 =	vadd.s32 v2, v11  }
0xca: {  	v9 =	vor.u32 v10, v9;
	_ =	sdelay $0x3  }
0xcb: {  	[tilespmem:s25+$0xFFFFFFD0] =	vst v8  }
0xcc: {  	v8 =	vld.idx.msk [tilespmem:v9+s15+$0x0], $0xffff  }
0xcd: {  	v9 =	vadd.s32 v3, v11  }
0xce: {  	v9 =	vor.u32 v10, v9;
	_ =	sdelay $0x3  }
0xcf: {  	[tilespmem:s25+$0xFFFFFFE0] =	vst v8  }
0xd0: {  	v8 =	vld.idx.msk [tilespmem:v9+s15+$0x0], $0xffff  }
0xd1: {  	v9 =	vadd.s32 v4, v11  }
0xd2: {  	v9 =	vor.u32 v10, v9;
	_ =	sdelay $0x3  }
0xd3: {  	[tilespmem:s25+$0xFFFFFFF0] =	vst v8  }
0xd4: {  	v8 =	vld.idx.msk [tilespmem:v9+s15+$0x0], $0xffff  }
0xd5: {  	v9 =	vadd.s32 v5, v11  }
0xd6: {  	v9 =	vor.u32 v10, v9;
	_ =	sdelay $0x3  }
0xd7: {  	[tilespmem:s25+$0x0] =	vst v8  }
0xd8: {  	v8 =	vld.idx.msk [tilespmem:v9+s15+$0x0], $0xffff  }
0xd9: {  	v9 =	vadd.s32 v6, v11  }
0xda: {  	v9 =	vor.u32 v10, v9;
	_ =	sdelay $0x3  }
0xdb: {  	[tilespmem:s25+$0x10] =	vst v8  }
0xdc: {  	v9 =	vld.idx.msk [tilespmem:v9+s15+$0x0], $0xffff  }
.Ltmp6:
0xdd: {  	v8 =	vadd.s32 v7, v11;
	(pc) =	sbr.rel @p0 .LBB2_9-.Ltmp6, $2  }
0xde: {  	v8 =	vor.u32 v10, v8;
	_ =	sdelay $0x2  }
0xdf: {  	v10 =	vmov s26;
	s26 =	sadd.s32 $0x1, s26  }
0xe0: {  	_ =	sdelay $0x1  }
0xe1: {  	v11 =	vshll.u32 v10, $0xB  }
0xe2: {  	[tilespmem:s25+$0x20] =	vst v9;
	v57 =	vshll.u32 v10, $0x7;
	v56 =	vand.u32 $0x4000, v11  }
0xe3: {  	v8 =	vld.idx.msk [tilespmem:v8+s15+$0x0], $0xffff;
	v10 =	vand.u32 $0x380, v57;
	v11 =	vadd.s32 v0, v56  }
0xe4: {  	v11 =	vor.u32 v10, v11;
	_ =	sdelay $0x3  }
0xe5: {  	[tilespmem:s25+$0x30] =	vst v8  }
0xe6: {  	v58 =	vadd.s32 v1, v56;
	v8 =	vld.idx.msk [tilespmem:v11+s15+$0x0], $0xffff  }
0xe7: {  	v11 =	vor.u32 v10, v58;
	_ =	sdelay $0x2  }
0xe8: {  	s30 =	sadd.s32 $0x80, s25  }
0xe9: {  	[tilespmem:s30+$0xFFFFFFC0] =	vst v8  }
0xea: {  	v59 =	vadd.s32 v2, v56;
	v8 =	vld.idx.msk [tilespmem:v11+s15+$0x0], $0xffff  }
0xeb: {  	v11 =	vor.u32 v10, v59;
	_ =	sdelay $0x3  }
0xec: {  	[tilespmem:s30+$0xFFFFFFD0] =	vst v8  }
0xed: {  	v60 =	vadd.s32 v3, v56;
	v8 =	vld.idx.msk [tilespmem:v11+s15+$0x0], $0xffff  }
0xee: {  	v11 =	vor.u32 v10, v60;
	_ =	sdelay $0x3  }
0xef: {  	[tilespmem:s30+$0xFFFFFFE0] =	vst v8  }
0xf0: {  	v61 =	vadd.s32 v4, v56;
	v8 =	vld.idx.msk [tilespmem:v11+s15+$0x0], $0xffff  }
0xf1: {  	v11 =	vor.u32 v10, v61;
	_ =	sdelay $0x3  }
0xf2: {  	[tilespmem:s30+$0xFFFFFFF0] =	vst v8  }
0xf3: {  	v62 =	vadd.s32 v5, v56;
	v8 =	vld.idx.msk [tilespmem:v11+s15+$0x0], $0xffff  }
0xf4: {  	v11 =	vor.u32 v10, v62;
	_ =	sdelay $0x3  }
0xf5: {  	[tilespmem:s30+$0x0] =	vst v8  }
0xf6: {  	v63 =	vadd.s32 v6, v56;
	v8 =	vld.idx.msk [tilespmem:v11+s15+$0x0], $0xffff  }
0xf7: {  	v11 =	vor.u32 v10, v63;
	_ =	sdelay $0x3  }
0xf8: {  	[tilespmem:s30+$0x10] =	vst v8  }
0xf9: {  	v9 =	vadd.s32 v7, v56;
	v8 =	vld.idx.msk [tilespmem:v11+s15+$0x0], $0xffff  }
0xfa: {  	v9 =	vor.u32 v10, v9;
	_ =	sdelay $0x3  }
0xfb: {  	[tilespmem:s30+$0x20] =	vst v8  }
0xfc: {  	v8 =	vld.idx.msk [tilespmem:v9+s15+$0x0], $0xffff  }
0xfd: {  	p0 =	seq.s32 s23, $0x2  }
.Ltmp7:
0xfe: {  	_ = 	snop;
	(pc) =	sbr.rel @p0 .LBB2_12-.Ltmp7, $4  }
0xff: {  	s26 =	sadd.s32 s24, s10  }
0x100: {  	s26 =	sshll.u32 s26, $0x4  }
0x101: {  	s31 =	sadd.s32 s5, s26;
	[tilespmem:s30+$0x30] =	vst v8  }
0x102: {  	[hbm4b:s31+s4] =	stream.linear.scatter [tilespmem:s20], [sflag:$0x4], $0x800, $0x38;
	[tilespmem:$0x11080] =	vst v63  }
.Ltmp8:
0x103: {  	(pc) =	sbr.rel .LBB2_2-.Ltmp8, $4  }
0x104: {  	s24 =	sadd.s32 s24, s11  }
0x105: {  	s24 =	sshll.u32 s24, $0x8  }
0x106: {  	s23 =	sadd.s32 $0x1, s23;
	s24 =	sadd.s32 s1, s24  }
0x107: {  	[tilespmem:s15], [sflag:$0x2] =	stream.linear.gather [hbm4b:s24+s4], $0x8000, $0x38;
	[tilespmem:$0x11080] =	vst v63  }
.LBB2_13:
0x108: {  	_ =	sfence.sel $0x180000  }
0x109: {  	[bflag:$0x0] =	sbarrier.arrive $0xFFFF  }
0x10a: {  	p0 =	sne.s32 s0, $0x0;
	_ =	strace $0x90000047  }
0x10b: {  	s0 =	sadd.s32 @!p0 $0x100000, s2;
	[bflag:$0x2] =	sbarrier.arrive $0xFFFF  }
0x10c: {  	[sflag:s0] =	ssyncadd.tile.s32 @!p0 $0x1;
	_ =	shalt  }
.Lfunc_end2:
_tile_overlayer_lowered:
.L_overlay_start_2:
0x10d: {  	(tag) =	ssettag $0x2  }
0x10e: {  	s0 =	rddreg [dreg:$0x0];
	s2 =	stileid.u32  }
0x10f: {  	s1 =	rddreg [dreg:$0x1];
	p0 =	sne.s32 s2, $0x0  }
0x110: {  	s3 =	rddreg [dreg:$0x2];
	[bflag:$0x3] =	sbarrier.arrive $0xFFFF;
	s2 =	simm.s32 @!p0 $0x1C05  }
0x111: {  	[timem:s3], [sflag:s2] =	dma.local @!p0 [hbm:s0], s1  }
0x112: {  	s0 =	simm.s32 @!p0 $0x5  }
0x113: {  	_ =	swait.ge @!p0 [sflag:s0], s1  }
0x114: {  	s1 =	ssub.s32 @!p0 $0x0, s1;
	[sflag:s0] =	ssyncset.done @!p0 $0x0  }
0x115: {  	[sflag:s0] =	ssyncadd.s32 @!p0 s1  }
0x116: {  	[bflag:$0x3] =	sbarrier.arrive $0xFFFF  }
0x117: {  	_ =	shalt  }

</sc_bundles>
